<compile_context>
chip_gen: v7x
topology: tpu7x:2x2x1
jax: 0.10.2.dev20260603
libtpu: 0.0.44.dev20260713+nightly
codegen_flags: <defaults>
</compile_context>

<pallas_src>
import functools
import math

import jax
import jax.numpy as jnp
from jax import lax
from jax.experimental import pallas as pl
from jax.experimental.pallas import tpu as pltpu
from jax.experimental.pallas import tpu_sc as plsc

V = 32000
SMOOTH = 0.1
CONF = 1.0 - SMOOTH
SV = SMOOTH / (V - 1)
K_ROW = CONF * math.log(CONF) + (V - 2) * SV * math.log(SV)

BR = 512
BV = 6400

_SC_INFO = plsc.get_sparse_core_info()
_NC = _SC_INFO.num_cores
_NS = _SC_INFO.num_subcores
_L = _SC_INFO.num_lanes
_NW = _NC * _NS


def _make_sc_gather(n_rows):
    rows_per_w = n_rows // _NW
    mesh = plsc.VectorSubcoreMesh(core_axis_name="c", subcore_axis_name="s")

    @functools.partial(
        pl.kernel,
        mesh=mesh,
        out_type=jax.ShapeDtypeStruct((n_rows,), jnp.float32),
        scratch_types=[
            pltpu.VMEM((rows_per_w,), jnp.int32),
            pltpu.VMEM((rows_per_w,), jnp.int32),
            pltpu.VMEM((rows_per_w,), jnp.float32),
            pltpu.SemaphoreType.DMA,
        ],
    )
    def sc_gather(t_hbm, xflat_hbm, out_hbm, t_v, idx_v, g_v, sem):
        wid = lax.axis_index("s") * _NC + lax.axis_index("c")
        base = wid * rows_per_w
        pltpu.sync_copy(t_hbm.at[pl.ds(base, rows_per_w)], t_v)
        for j in range(rows_per_w // _L):
            tv = t_v[pl.ds(j * _L, _L)]
            row = base + j * _L + lax.iota(jnp.int32, _L)
            idx_v[pl.ds(j * _L, _L)] = row * V + tv
        pltpu.async_copy(xflat_hbm.at[idx_v], g_v, sem).wait()
        pltpu.sync_copy(g_v, out_hbm.at[pl.ds(base, rows_per_w)])

    return sc_gather


def _loss_body(t_ref, g_ref, x_ref, o_ref):
    ri = pl.program_id(0)
    vi = pl.program_id(1)

    @pl.when((ri == 0) & (vi == 0))
    def _():
        o_ref[0, 0] = 0.0

    x = x_ref[...]
    t2 = t_ref[0]
    maskf = (t2 != 0).astype(jnp.float32)
    rs = jnp.sum(x, axis=1, keepdims=True)
    partial = -SV * jnp.sum(rs * maskf)

    @pl.when(vi == 0)
    def _():
        g2 = g_ref[0]
        lp0 = x[:, 0:1]
        o_ref[0, 0] += jnp.sum(
            maskf * (K_ROW + SV * lp0 - (CONF - SV) * g2))

    o_ref[0, 0] += partial


def _loss(x2d, t3d, g3d):
    nr = x2d.shape[0] // BR
    nv = V // BV
    out = pl.pallas_call(
        _loss_body,
        grid=(nr, nv),
        in_specs=[
            pl.BlockSpec((1, BR, 1), lambda ri, vi: (ri, 0, 0)),
            pl.BlockSpec((1, BR, 1), lambda ri, vi: (ri, 0, 0)),
            pl.BlockSpec((BR, BV), lambda ri, vi: (ri, vi)),
        ],
        out_specs=pl.BlockSpec(
            (1, 1), lambda ri, vi: (0, 0), memory_space=pltpu.SMEM
        ),
        out_shape=jax.ShapeDtypeStruct((1, 1), jnp.float32),
    )(t3d, g3d, x2d)
    return out[0, 0]


def kernel(trg_tokens_logprobas, target_token_idxs):
    B, S, Vv = trg_tokens_logprobas.shape
    n_rows = B * S
    x2d = trg_tokens_logprobas.reshape(n_rows, Vv)
    t = target_token_idxs.astype(jnp.int32).reshape(n_rows)
    g = _make_sc_gather(n_rows)(t, x2d.reshape(-1))
    nr = n_rows // BR
    t3d = t.reshape(nr, BR, 1)
    g3d = g.reshape(nr, BR, 1)
    return _loss(x2d, t3d, g3d)

# --- scband reference (transcript-rebuilt; emitter-appended) ---
"""Pipeline reference for scband-label-smoothing-83159156785755 (READ-ONLY COPY).

The authoritative reference and input builder live on the scoring server;
editing this copy changes nothing except your own understanding.
"""

import jax, jax.numpy as jnp
import numpy as np

TRG_VOCAB_SIZE = 32000
PADDING_TOKEN_IDX = 0
SMOOTHING = 0.1
CONFIDENCE = 1.0 - SMOOTHING


def setup_inputs(seed: int = 0) -> dict:
    key = jax.random.key(seed)
    k1, k2 = jax.random.split(key)
    B, S, V = 2, 2048, TRG_VOCAB_SIZE
    trg_tokens_logprobas = jax.random.normal(k1, (B, S, V), dtype=jnp.float32)
    target_token_idxs = jax.random.randint(k2, (B, S), 0, V, dtype=jnp.int64)
    return {
        "trg_tokens_logprobas": trg_tokens_logprobas,
        "target_token_idxs": target_token_idxs,
    }


def reference(trg_tokens_logprobas, target_token_idxs):
    B, S, V = trg_tokens_logprobas.shape
    assert V == TRG_VOCAB_SIZE
    smooth_value = SMOOTHING / (V - 1)
    # true_dist filled with smoothing mass
    true_dist = jnp.full((B, S, V), smooth_value, dtype=trg_tokens_logprobas.dtype)
    # scatter confidence at the target index along dim 2
    b_idx = jnp.arange(B)[:, None]
    s_idx = jnp.arange(S)[None, :]
    true_dist = true_dist.at[b_idx, s_idx, target_token_idxs].set(CONFIDENCE)
    # zero out padding column
    true_dist = true_dist.at[:, :, PADDING_TOKEN_IDX].set(0.0)
    # zero out rows whose target is the padding token
    pad_mask = (target_token_idxs == PADDING_TOKEN_IDX)
    true_dist = jnp.where(pad_mask[:, :, None], 0.0, true_dist)
    # KLDivLoss(reduction='sum'): sum over target * (log(target) - input)
    # torch uses xlogy semantics so target==0 contributes exactly 0
    loss = jnp.sum(jax.scipy.special.xlogy(true_dist, true_dist) - true_dist * trg_tokens_logprobas)
    return loss

if __name__ == "__main__":
    import jax
    _d = setup_inputs()
    print(jax.jit(kernel)(*tuple(_d.values())))

</pallas_src>

<mosaic_0001>
#map = affine_map<(d0, d1) -> (0)>
module attributes {stable_mosaic.version = 14 : i64} {
  func.func @sc_gather(%arg0: i32, %arg1: i32, %arg2: memref<4096xi32, #tpu.memory_space<hbm>>, %arg3: memref<131072000xf32, #tpu.memory_space<hbm>>, %arg4: memref<4096xf32, #tpu.memory_space<hbm>>, %arg5: memref<128xi32, #tpu.memory_space<vmem>>, %arg6: memref<128xi32, #tpu.memory_space<vmem>>, %arg7: memref<128xf32, #tpu.memory_space<vmem>>, %arg8: memref<!tpu.dma_semaphore, #tpu.memory_space<semaphore_mem>>) attributes {dimension_semantics = [#tpu.dimension_semantics<core_parallel>, #tpu.dimension_semantics<subcore_parallel>], iteration_bounds = array<i64: 2, 16>, scalar_prefetch = 0 : i64, scratch_operands = 4 : i64, tpu.core_type = #tpu.core_type<sc_vector_subcore>, window_params = [{transform_indices = #map}, {transform_indices = #map}, {transform_indices = #map}]} {
    %mul3A = arith.constant 2 : i32
    %mul3A_0 = arith.muli %arg1, %mul3A : i32
    %add3A = arith.addi %mul3A_0, %arg0 : i32
    %mul3A_1 = arith.constant 128 : i32
    %mul3A_2 = arith.muli %add3A, %mul3A_1 : i32
    "tpu.region"() ({
      %run_scoped3A = tpu.sem_alloc : memref<!tpu.dma_semaphore, #tpu.memory_space<semaphore_mem>>
      %dma_start3A_130 = tpu.memref_slice %arg2[%mul3A_2] : memref<4096xi32, #tpu.memory_space<hbm>> -> memref<128xi32, #tpu.memory_space<hbm>>
      %dma_start3A_131 = tpu.memref_slice %arg2[%mul3A_2] : memref<4096xi32, #tpu.memory_space<hbm>> -> memref<128xi32, #tpu.memory_space<hbm>>
      tpu.enqueue_dma source(%dma_start3A_131 : memref<128xi32, #tpu.memory_space<hbm>>) target(%arg5 : memref<128xi32, #tpu.memory_space<vmem>>) target_semaphore(%run_scoped3A : memref<!tpu.dma_semaphore, #tpu.memory_space<semaphore_mem>>)
      %dma_wait3A_132 = tpu.memref_slice %arg2[%mul3A_2] : memref<4096xi32, #tpu.memory_space<hbm>> -> memref<128xi32, #tpu.memory_space<hbm>>
      %dma_wait3A_133 = tpu.memref_slice %arg2[%mul3A_2] : memref<4096xi32, #tpu.memory_space<hbm>> -> memref<128xi32, #tpu.memory_space<hbm>>
      tpu.wait_dma2 semaphore(%run_scoped3A : memref<!tpu.dma_semaphore, #tpu.memory_space<semaphore_mem>>) src(%dma_wait3A_133 : memref<128xi32, #tpu.memory_space<hbm>>) dst(%arg5 : memref<128xi32, #tpu.memory_space<vmem>>)
      tpu.yield
    }) : () -> ()
    %get3A = arith.constant 0 : index
    %get3A_3 = tpu.vector_load %arg5[%get3A] {strides = array<i32>} : memref<128xi32, #tpu.memory_space<vmem>>, vector<16xi32>,
    %get3A_4 = vector.shape_cast %get3A_3 : vector<16xi32> to vector<16xi32>
    %add3A_5 = arith.constant 0 : i32
    %add3A_6 = arith.addi %mul3A_2, %add3A_5 : i32
    %iota3A = tpu.iota {dimensions = array<i32: 0>} : vector<16xi32>
    %add3A_7 = vector.broadcast %add3A_6 : i32 to vector<16xi32>
    %add3A_8 = arith.addi %add3A_7, %iota3A : vector<16xi32>
    %mul3A_9 = arith.constant 32000 : i32
    %mul3A_10 = vector.broadcast %mul3A_9 : i32 to vector<16xi32>
    %mul3A_11 = arith.muli %add3A_8, %mul3A_10 : vector<16xi32>
    %add3A_12 = arith.addi %mul3A_11, %get3A_4 : vector<16xi32>
    %swap3A = arith.constant 0 : index
    %swap3A_13 = tpu.vector_load %arg6[%swap3A] {strides = array<i32>} : memref<128xi32, #tpu.memory_space<vmem>>, vector<16xi32>,
    %swap3A_14 = vector.shape_cast %swap3A_13 : vector<16xi32> to vector<16xi32>
    %swap3A_15 = vector.shape_cast %add3A_12 : vector<16xi32> to vector<16xi32>
    tpu.vector_store %arg6[%swap3A], %swap3A_15 {strides = array<i32>} : memref<128xi32, #tpu.memory_space<vmem>>, vector<16xi32>,
    %get3A_16 = arith.constant 16 : index
    %get3A_17 = tpu.vector_load %arg5[%get3A_16] {strides = array<i32>} : memref<128xi32, #tpu.memory_space<vmem>>, vector<16xi32>,
    %get3A_18 = vector.shape_cast %get3A_17 : vector<16xi32> to vector<16xi32>
    %add3A_19 = arith.constant 16 : i32
    %add3A_20 = arith.addi %mul3A_2, %add3A_19 : i32
    %iota3A_21 = tpu.iota {dimensions = array<i32: 0>} : vector<16xi32>
    %add3A_22 = vector.broadcast %add3A_20 : i32 to vector<16xi32>
    %add3A_23 = arith.addi %add3A_22, %iota3A_21 : vector<16xi32>
    %mul3A_24 = arith.constant 32000 : i32
    %mul3A_25 = vector.broadcast %mul3A_24 : i32 to vector<16xi32>
    %mul3A_26 = arith.muli %add3A_23, %mul3A_25 : vector<16xi32>
    %add3A_27 = arith.addi %mul3A_26, %get3A_18 : vector<16xi32>
    %swap3A_28 = arith.constant 16 : index
    %swap3A_29 = tpu.vector_load %arg6[%swap3A_28] {strides = array<i32>} : memref<128xi32, #tpu.memory_space<vmem>>, vector<16xi32>,
    %swap3A_30 = vector.shape_cast %swap3A_29 : vector<16xi32> to vector<16xi32>
    %swap3A_31 = vector.shape_cast %add3A_27 : vector<16xi32> to vector<16xi32>
    tpu.vector_store %arg6[%swap3A_28], %swap3A_31 {strides = array<i32>} : memref<128xi32, #tpu.memory_space<vmem>>, vector<16xi32>,
    %get3A_32 = arith.constant 32 : index
    %get3A_33 = tpu.vector_load %arg5[%get3A_32] {strides = array<i32>} : memref<128xi32, #tpu.memory_space<vmem>>, vector<16xi32>,
    %get3A_34 = vector.shape_cast %get3A_33 : vector<16xi32> to vector<16xi32>
    %add3A_35 = arith.constant 32 : i32
    %add3A_36 = arith.addi %mul3A_2, %add3A_35 : i32
    %iota3A_37 = tpu.iota {dimensions = array<i32: 0>} : vector<16xi32>
    %add3A_38 = vector.broadcast %add3A_36 : i32 to vector<16xi32>
    %add3A_39 = arith.addi %add3A_38, %iota3A_37 : vector<16xi32>
    %mul3A_40 = arith.constant 32000 : i32
    %mul3A_41 = vector.broadcast %mul3A_40 : i32 to vector<16xi32>
    %mul3A_42 = arith.muli %add3A_39, %mul3A_41 : vector<16xi32>
    %add3A_43 = arith.addi %mul3A_42, %get3A_34 : vector<16xi32>
    %swap3A_44 = arith.constant 32 : index
    %swap3A_45 = tpu.vector_load %arg6[%swap3A_44] {strides = array<i32>} : memref<128xi32, #tpu.memory_space<vmem>>, vector<16xi32>,
    %swap3A_46 = vector.shape_cast %swap3A_45 : vector<16xi32> to vector<16xi32>
    %swap3A_47 = vector.shape_cast %add3A_43 : vector<16xi32> to vector<16xi32>
    tpu.vector_store %arg6[%swap3A_44], %swap3A_47 {strides = array<i32>} : memref<128xi32, #tpu.memory_space<vmem>>, vector<16xi32>,
    %get3A_48 = arith.constant 48 : index
    %get3A_49 = tpu.vector_load %arg5[%get3A_48] {strides = array<i32>} : memref<128xi32, #tpu.memory_space<vmem>>, vector<16xi32>,
    %get3A_50 = vector.shape_cast %get3A_49 : vector<16xi32> to vector<16xi32>
    %add3A_51 = arith.constant 48 : i32
    %add3A_52 = arith.addi %mul3A_2, %add3A_51 : i32
    %iota3A_53 = tpu.iota {dimensions = array<i32: 0>} : vector<16xi32>
    %add3A_54 = vector.broadcast %add3A_52 : i32 to vector<16xi32>
    %add3A_55 = arith.addi %add3A_54, %iota3A_53 : vector<16xi32>
    %mul3A_56 = arith.constant 32000 : i32
    %mul3A_57 = vector.broadcast %mul3A_56 : i32 to vector<16xi32>
    %mul3A_58 = arith.muli %add3A_55, %mul3A_57 : vector<16xi32>
    %add3A_59 = arith.addi %mul3A_58, %get3A_50 : vector<16xi32>
    %swap3A_60 = arith.constant 48 : index
    %swap3A_61 = tpu.vector_load %arg6[%swap3A_60] {strides = array<i32>} : memref<128xi32, #tpu.memory_space<vmem>>, vector<16xi32>,
    %swap3A_62 = vector.shape_cast %swap3A_61 : vector<16xi32> to vector<16xi32>
    %swap3A_63 = vector.shape_cast %add3A_59 : vector<16xi32> to vector<16xi32>
    tpu.vector_store %arg6[%swap3A_60], %swap3A_63 {strides = array<i32>} : memref<128xi32, #tpu.memory_space<vmem>>, vector<16xi32>,
    %get3A_64 = arith.constant 64 : index
    %get3A_65 = tpu.vector_load %arg5[%get3A_64] {strides = array<i32>} : memref<128xi32, #tpu.memory_space<vmem>>, vector<16xi32>,
    %get3A_66 = vector.shape_cast %get3A_65 : vector<16xi32> to vector<16xi32>
    %add3A_67 = arith.constant 64 : i32
    %add3A_68 = arith.addi %mul3A_2, %add3A_67 : i32
    %iota3A_69 = tpu.iota {dimensions = array<i32: 0>} : vector<16xi32>
    %add3A_70 = vector.broadcast %add3A_68 : i32 to vector<16xi32>
    %add3A_71 = arith.addi %add3A_70, %iota3A_69 : vector<16xi32>
    %mul3A_72 = arith.constant 32000 : i32
    %mul3A_73 = vector.broadcast %mul3A_72 : i32 to vector<16xi32>
    %mul3A_74 = arith.muli %add3A_71, %mul3A_73 : vector<16xi32>
    %add3A_75 = arith.addi %mul3A_74, %get3A_66 : vector<16xi32>
    %swap3A_76 = arith.constant 64 : index
    %swap3A_77 = tpu.vector_load %arg6[%swap3A_76] {strides = array<i32>} : memref<128xi32, #tpu.memory_space<vmem>>, vector<16xi32>,
    %swap3A_78 = vector.shape_cast %swap3A_77 : vector<16xi32> to vector<16xi32>
    %swap3A_79 = vector.shape_cast %add3A_75 : vector<16xi32> to vector<16xi32>
    tpu.vector_store %arg6[%swap3A_76], %swap3A_79 {strides = array<i32>} : memref<128xi32, #tpu.memory_space<vmem>>, vector<16xi32>,
    %get3A_80 = arith.constant 80 : index
    %get3A_81 = tpu.vector_load %arg5[%get3A_80] {strides = array<i32>} : memref<128xi32, #tpu.memory_space<vmem>>, vector<16xi32>,
    %get3A_82 = vector.shape_cast %get3A_81 : vector<16xi32> to vector<16xi32>
    %add3A_83 = arith.constant 80 : i32
    %add3A_84 = arith.addi %mul3A_2, %add3A_83 : i32
    %iota3A_85 = tpu.iota {dimensions = array<i32: 0>} : vector<16xi32>
    %add3A_86 = vector.broadcast %add3A_84 : i32 to vector<16xi32>
    %add3A_87 = arith.addi %add3A_86, %iota3A_85 : vector<16xi32>
    %mul3A_88 = arith.constant 32000 : i32
    %mul3A_89 = vector.broadcast %mul3A_88 : i32 to vector<16xi32>
    %mul3A_90 = arith.muli %add3A_87, %mul3A_89 : vector<16xi32>
    %add3A_91 = arith.addi %mul3A_90, %get3A_82 : vector<16xi32>
    %swap3A_92 = arith.constant 80 : index
    %swap3A_93 = tpu.vector_load %arg6[%swap3A_92] {strides = array<i32>} : memref<128xi32, #tpu.memory_space<vmem>>, vector<16xi32>,
    %swap3A_94 = vector.shape_cast %swap3A_93 : vector<16xi32> to vector<16xi32>
    %swap3A_95 = vector.shape_cast %add3A_91 : vector<16xi32> to vector<16xi32>
    tpu.vector_store %arg6[%swap3A_92], %swap3A_95 {strides = array<i32>} : memref<128xi32, #tpu.memory_space<vmem>>, vector<16xi32>,
    %get3A_96 = arith.constant 96 : index
    %get3A_97 = tpu.vector_load %arg5[%get3A_96] {strides = array<i32>} : memref<128xi32, #tpu.memory_space<vmem>>, vector<16xi32>,
    %get3A_98 = vector.shape_cast %get3A_97 : vector<16xi32> to vector<16xi32>
    %add3A_99 = arith.constant 96 : i32
    %add3A_100 = arith.addi %mul3A_2, %add3A_99 : i32
    %iota3A_101 = tpu.iota {dimensions = array<i32: 0>} : vector<16xi32>
    %add3A_102 = vector.broadcast %add3A_100 : i32 to vector<16xi32>
    %add3A_103 = arith.addi %add3A_102, %iota3A_101 : vector<16xi32>
    %mul3A_104 = arith.constant 32000 : i32
    %mul3A_105 = vector.broadcast %mul3A_104 : i32 to vector<16xi32>
    %mul3A_106 = arith.muli %add3A_103, %mul3A_105 : vector<16xi32>
    %add3A_107 = arith.addi %mul3A_106, %get3A_98 : vector<16xi32>
    %swap3A_108 = arith.constant 96 : index
    %swap3A_109 = tpu.vector_load %arg6[%swap3A_108] {strides = array<i32>} : memref<128xi32, #tpu.memory_space<vmem>>, vector<16xi32>,
    %swap3A_110 = vector.shape_cast %swap3A_109 : vector<16xi32> to vector<16xi32>
    %swap3A_111 = vector.shape_cast %add3A_107 : vector<16xi32> to vector<16xi32>
    tpu.vector_store %arg6[%swap3A_108], %swap3A_111 {strides = array<i32>} : memref<128xi32, #tpu.memory_space<vmem>>, vector<16xi32>,
    %get3A_112 = arith.constant 112 : index
    %get3A_113 = tpu.vector_load %arg5[%get3A_112] {strides = array<i32>} : memref<128xi32, #tpu.memory_space<vmem>>, vector<16xi32>,
    %get3A_114 = vector.shape_cast %get3A_113 : vector<16xi32> to vector<16xi32>
    %add3A_115 = arith.constant 112 : i32
    %add3A_116 = arith.addi %mul3A_2, %add3A_115 : i32
    %iota3A_117 = tpu.iota {dimensions = array<i32: 0>} : vector<16xi32>
    %add3A_118 = vector.broadcast %add3A_116 : i32 to vector<16xi32>
    %add3A_119 = arith.addi %add3A_118, %iota3A_117 : vector<16xi32>
    %mul3A_120 = arith.constant 32000 : i32
    %mul3A_121 = vector.broadcast %mul3A_120 : i32 to vector<16xi32>
    %mul3A_122 = arith.muli %add3A_119, %mul3A_121 : vector<16xi32>
    %add3A_123 = arith.addi %mul3A_122, %get3A_114 : vector<16xi32>
    %swap3A_124 = arith.constant 112 : index
    %swap3A_125 = tpu.vector_load %arg6[%swap3A_124] {strides = array<i32>} : memref<128xi32, #tpu.memory_space<vmem>>, vector<16xi32>,
    %swap3A_126 = vector.shape_cast %swap3A_125 : vector<16xi32> to vector<16xi32>
    %swap3A_127 = vector.shape_cast %add3A_123 : vector<16xi32> to vector<16xi32>
    tpu.vector_store %arg6[%swap3A_124], %swap3A_127 {strides = array<i32>} : memref<128xi32, #tpu.memory_space<vmem>>, vector<16xi32>,
    %dma_start3A = arith.constant 0 : i32
    %dma_start3A_128 = tpu.memref_slice %arg3[%dma_start3A] : memref<131072000xf32, #tpu.memory_space<hbm>> -> memref<131072000xf32, #tpu.memory_space<hbm>>
    tpu.enqueue_indirect_dma source(%dma_start3A_128 : memref<131072000xf32, #tpu.memory_space<hbm>>) target(%arg7 : memref<128xf32, #tpu.memory_space<vmem>>) offsets(%arg6 : memref<128xi32, #tpu.memory_space<vmem>>) semaphore(%arg8 : memref<!tpu.dma_semaphore, #tpu.memory_space<semaphore_mem>>)
    %dma_wait3A = arith.constant 0 : i32
    %dma_wait3A_129 = tpu.memref_slice %arg3[%dma_wait3A] : memref<131072000xf32, #tpu.memory_space<hbm>> -> memref<131072000xf32, #tpu.memory_space<hbm>>
    tpu.wait_indirect_dma semaphore(%arg8 : memref<!tpu.dma_semaphore, #tpu.memory_space<semaphore_mem>>) src(%dma_wait3A_129 : memref<131072000xf32, #tpu.memory_space<hbm>>) dst(%arg7 : memref<128xf32, #tpu.memory_space<vmem>>)
    "tpu.region"() ({
      %run_scoped3A = tpu.sem_alloc : memref<!tpu.dma_semaphore, #tpu.memory_space<semaphore_mem>>
      %dma_start3A_130 = tpu.memref_slice %arg4[%mul3A_2] : memref<4096xf32, #tpu.memory_space<hbm>> -> memref<128xf32, #tpu.memory_space<hbm>>
      %dma_start3A_131 = tpu.memref_slice %arg4[%mul3A_2] : memref<4096xf32, #tpu.memory_space<hbm>> -> memref<128xf32, #tpu.memory_space<hbm>>
      tpu.enqueue_dma source(%arg7 : memref<128xf32, #tpu.memory_space<vmem>>) target(%dma_start3A_131 : memref<128xf32, #tpu.memory_space<hbm>>) target_semaphore(%run_scoped3A : memref<!tpu.dma_semaphore, #tpu.memory_space<semaphore_mem>>)
      %dma_wait3A_132 = tpu.memref_slice %arg4[%mul3A_2] : memref<4096xf32, #tpu.memory_space<hbm>> -> memref<128xf32, #tpu.memory_space<hbm>>
      %dma_wait3A_133 = tpu.memref_slice %arg4[%mul3A_2] : memref<4096xf32, #tpu.memory_space<hbm>> -> memref<128xf32, #tpu.memory_space<hbm>>
      tpu.wait_dma2 semaphore(%run_scoped3A : memref<!tpu.dma_semaphore, #tpu.memory_space<semaphore_mem>>) src(%arg7 : memref<128xf32, #tpu.memory_space<vmem>>) dst(%dma_wait3A_133 : memref<128xf32, #tpu.memory_space<hbm>>)
      tpu.yield
    }) : () -> ()
    return
  }
}

module attributes {stable_mosaic.version = 14 : i64} {
  func.func @_loss_body(%arg0: i32, %arg1: i32, %arg2: memref<1x512x1xi32, #tpu.memory_space<vmem>>, %arg3: memref<1x512x1xf32, #tpu.memory_space<vmem>>, %arg4: memref<512x6400xf32, #tpu.memory_space<vmem>>, %arg5: memref<1x1xf32, #tpu.memory_space<smem>>) attributes {dimension_semantics = [#tpu.dimension_semantics<arbitrary>, #tpu.dimension_semantics<arbitrary>], iteration_bounds = array<i64: 8, 5>, scalar_prefetch = 0 : i64, scratch_operands = 0 : i64, tpu.core_type = #tpu.core_type<tc>, window_params = [{transform_indices = @transform_0, window_bounds = array<i64: 1, 512, 1>}, {transform_indices = @transform_1, window_bounds = array<i64: 1, 512, 1>}, {transform_indices = @transform_2, window_bounds = array<i64: 512, 6400>}, {transform_indices = @transform_3, window_bounds = array<i64: 1, 1>}]} {
    %eq3A = arith.constant 0 : i32
    %eq3A_0 = arith.cmpi eq, %arg0, %eq3A : i32
    %eq3A_1 = arith.constant 0 : i32
    %eq3A_2 = arith.cmpi eq, %arg1, %eq3A_1 : i32
    %and3A = arith.andi %eq3A_0, %eq3A_2 : i1
    %convert_element_type3A = arith.extui %and3A : i1 to i32
    %cond3A = arith.constant 0 : i32
    %cond3A_3 = arith.cmpi ne, %convert_element_type3A, %cond3A : i32
    scf.if %cond3A_3 {
      %swap3A_33 = arith.constant 0.000000e+00 : f32
      %swap3A_34 = arith.constant 0 : index
      %swap3A_35 = arith.constant 0 : index
      %swap3A_36 = memref.load %arg5[%swap3A_34, %swap3A_35] : memref<1x1xf32, #tpu.memory_space<smem>>
      memref.store %swap3A_33, %arg5[%swap3A_34, %swap3A_35] : memref<1x1xf32, #tpu.memory_space<smem>>
    } else {
    }
    %get3A = arith.constant 0 : index
    %get3A_4 = arith.constant 0 : index
    %get3A_5 = vector.load %arg4[%get3A, %get3A_4] : memref<512x6400xf32, #tpu.memory_space<vmem>>, vector<512x6400xf32>
    %get3A_6 = arith.constant 0 : index
    %get3A_7 = arith.constant 0 : index
    %get3A_8 = arith.constant 0 : index
    %get3A_9 = vector.load %arg2[%get3A_6, %get3A_7, %get3A_8] : memref<1x512x1xi32, #tpu.memory_space<vmem>>, vector<1x512x1xi32>
    %get3A_10 = vector.shape_cast %get3A_9 : vector<1x512x1xi32> to vector<512x1xi32>
    %ne3A = arith.constant 0 : i32
    %ne3A_11 = vector.broadcast %ne3A : i32 to vector<512x1xi32>
    %ne3A_12 = arith.cmpi ne, %get3A_10, %ne3A_11 : vector<512x1xi32>
    %convert_element_type3A_13 = arith.extui %ne3A_12 : vector<512x1xi1> to vector<512x1xi32>
    %convert_element_type3A_14 = arith.sitofp %convert_element_type3A_13 : vector<512x1xi32> to vector<512x1xf32>
    %reduce_sum3A = arith.constant dense<0.000000e+00> : vector<512xf32>
    %reduce_sum3A_15 = vector.multi_reduction <add>, %get3A_5, %reduce_sum3A [1] : vector<512x6400xf32> to vector<512xf32>
    %broadcast_in_dim3A = vector.shape_cast %reduce_sum3A_15 : vector<512xf32> to vector<512x1xf32>
    %mul3A = arith.mulf %broadcast_in_dim3A, %convert_element_type3A_14 : vector<512x1xf32>
    %reduce_sum3A_16 = vector.shape_cast %mul3A : vector<512x1xf32> to vector<1x512x1xf32>
    %reduce_sum3A_17 = arith.constant dense<0.000000e+00> : vector<1xf32>
    %reduce_sum3A_18 = vector.multi_reduction <add>, %reduce_sum3A_16, %reduce_sum3A_17 [1, 2] : vector<1x512x1xf32> to vector<1xf32>
    %reduce_sum3A_19 = vector.shape_cast %reduce_sum3A_18 : vector<1xf32> to vector<1x1x1xf32>
    %reduce_sum3A_20 = vector.extract %reduce_sum3A_19[0, 0, 0] : f32 from vector<1x1x1xf32>
    %mul3A_21 = arith.constant -3.12509769E-6 : f32
    %mul3A_22 = arith.mulf %mul3A_21, %reduce_sum3A_20 : f32
    %eq3A_23 = arith.constant 0 : i32
    %eq3A_24 = arith.cmpi eq, %arg1, %eq3A_23 : i32
    %convert_element_type3A_25 = arith.extui %eq3A_24 : i1 to i32
    %cond3A_26 = arith.constant 0 : i32
    %cond3A_27 = arith.cmpi ne, %convert_element_type3A_25, %cond3A_26 : i32
    scf.if %cond3A_27 {
      %get3A_33 = arith.constant 0 : index
      %get3A_34 = arith.constant 0 : index
      %get3A_35 = arith.constant 0 : index
      %get3A_36 = vector.load %arg3[%get3A_33, %get3A_34, %get3A_35] : memref<1x512x1xf32, #tpu.memory_space<vmem>>, vector<1x512x1xf32>
      %get3A_37 = vector.shape_cast %get3A_36 : vector<1x512x1xf32> to vector<512x1xf32>
      %slice3A = vector.extract_strided_slice %get3A_5 {offsets = [0, 0], sizes = [512, 1], strides = [1, 1]} : vector<512x6400xf32> to vector<512x1xf32>
      %get3A_38 = arith.constant 0 : index
      %get3A_39 = arith.constant 0 : index
      %get3A_40 = memref.load %arg5[%get3A_38, %get3A_39] : memref<1x1xf32, #tpu.memory_space<smem>>
      %mul3A_41 = arith.constant 3.12509769E-6 : f32
      %mul3A_42 = vector.broadcast %mul3A_41 : f32 to vector<512x1xf32>
      %mul3A_43 = arith.mulf %mul3A_42, %slice3A : vector<512x1xf32>
      %add3A_44 = arith.constant -1.36238933 : f32
      %add3A_45 = vector.broadcast %add3A_44 : f32 to vector<512x1xf32>
      %add3A_46 = arith.addf %add3A_45, %mul3A_43 : vector<512x1xf32>
      %mul3A_47 = arith.constant 0.899996876 : f32
      %mul3A_48 = vector.broadcast %mul3A_47 : f32 to vector<512x1xf32>
      %mul3A_49 = arith.mulf %mul3A_48, %get3A_37 : vector<512x1xf32>
      %sub3A = arith.subf %add3A_46, %mul3A_49 : vector<512x1xf32>
      %mul3A_50 = arith.mulf %convert_element_type3A_14, %sub3A : vector<512x1xf32>
      %reduce_sum3A_51 = vector.shape_cast %mul3A_50 : vector<512x1xf32> to vector<1x512x1xf32>
      %reduce_sum3A_52 = arith.constant dense<0.000000e+00> : vector<1xf32>
      %reduce_sum3A_53 = vector.multi_reduction <add>, %reduce_sum3A_51, %reduce_sum3A_52 [1, 2] : vector<1x512x1xf32> to vector<1xf32>
      %reduce_sum3A_54 = vector.shape_cast %reduce_sum3A_53 : vector<1xf32> to vector<1x1x1xf32>
      %reduce_sum3A_55 = vector.extract %reduce_sum3A_54[0, 0, 0] : f32 from vector<1x1x1xf32>
      %add3A_56 = arith.addf %get3A_40, %reduce_sum3A_55 : f32
      %swap3A_57 = arith.constant 0 : index
      %swap3A_58 = arith.constant 0 : index
      %swap3A_59 = memref.load %arg5[%swap3A_57, %swap3A_58] : memref<1x1xf32, #tpu.memory_space<smem>>
      memref.store %add3A_56, %arg5[%swap3A_57, %swap3A_58] : memref<1x1xf32, #tpu.memory_space<smem>>
    } else {
    }
    %get3A_28 = arith.constant 0 : index
    %get3A_29 = arith.constant 0 : index
    %get3A_30 = memref.load %arg5[%get3A_28, %get3A_29] : memref<1x1xf32, #tpu.memory_space<smem>>
    %add3A = arith.addf %get3A_30, %mul3A_22 : f32
    %swap3A = arith.constant 0 : index
    %swap3A_31 = arith.constant 0 : index
    %swap3A_32 = memref.load %arg5[%swap3A, %swap3A_31] : memref<1x1xf32, #tpu.memory_space<smem>>
    memref.store %add3A, %arg5[%swap3A, %swap3A_31] : memref<1x1xf32, #tpu.memory_space<smem>>
    return
  }
  func.func @transform_0(%arg0: i32, %arg1: i32) -> (i32, i32, i32) {
    %c0_i32 = arith.constant 0 : i32
    %c0_i32_0 = arith.constant 0 : i32
    %c0_i32_1 = arith.constant 0 : i32
    return %arg0, %c0_i32, %c0_i32_0 : i32, i32, i32
  }
  func.func @transform_1(%arg0: i32, %arg1: i32) -> (i32, i32, i32) {
    %c0_i32 = arith.constant 0 : i32
    %c0_i32_0 = arith.constant 0 : i32
    %c0_i32_1 = arith.constant 0 : i32
    return %arg0, %c0_i32, %c0_i32_0 : i32, i32, i32
  }
  func.func @transform_2(%arg0: i32, %arg1: i32) -> (i32, i32) {
    %c0_i32 = arith.constant 0 : i32
    return %arg0, %arg1 : i32, i32
  }
  func.func @transform_3(%arg0: i32, %arg1: i32) -> (i32, i32) {
    %c0_i32 = arith.constant 0 : i32
    %c0_i32_0 = arith.constant 0 : i32
    %c0_i32_1 = arith.constant 0 : i32
    return %c0_i32, %c0_i32_0 : i32, i32
  }
}

</mosaic_0001>

<sc_bundles>
// kernel: kernel.4.cloned.1.call-start
scs
__scs_entry_jumppad:
0x0: {  	(pc) =	sbr.rel $0x88, $3  }
0x1: {  	(tag) =	ssettag $0x0;
	lr =	simm.s32 $0x1  }
0x2: {  	[smem:$0x3F9F] =	sst lr;
	_ =	strace $0xD0000000  }
0x3: {  	_ = 	snop  }
0x4: {  	_ = 	snop  }
0x5: {  	_ = 	snop  }
0x6: {  	_ = 	snop  }
0x7: {  	_ = 	snop  }
__scs_overlays_trampoline_lowered:
0x8: {  	[smem:$0x3FAE] =	sst s0  }
0x9: {  	[smem:$0x3FAF] =	sst s1  }
0xa: {  	[smem:$0x3FB0] =	sst s2  }
0xb: {  	[smem:$0x3FB1] =	sst s3  }
0xc: {  	[smem:$0x3FB2] =	sst s4  }
0xd: {  	[smem:$0x3FB3] =	sst s5  }
0xe: {  	[smem:$0x3FB4] =	sst s6  }
0xf: {  	[smem:$0x3FB5] =	sst s7  }
0x10: {  	[smem:$0x3FB6] =	sst s8  }
0x11: {  	[smem:$0x3FB7] =	sst s9;
	s0 =	simm.s32 @!p0 $0x0  }
0x12: {  	s1 =	sld [smem:$0x3F9D];
	s0 =	simm.s32 @p0 $0x1  }
0x13: {  	[smem:$0x3FB8] =	sst s0;
	s0 =	simm.s32 @!p1 $0x0  }
0x14: {  	s2 =	sld [smem:$0x3F9C];
	s0 =	simm.s32 @p1 $0x1  }
0x15: {  	[smem:$0x3FB9] =	sst s0;
	s0 =	simm.s32 @!p2 $0x0  }
0x16: {  	s3 =	sld [smem:$0x3FDB];
	s0 =	simm.s32 @p2 $0x1  }
0x17: {  	s4 =	simm.s32 $0x1BF5;
	[smem:$0x3FBB] =	sst s0  }
0x18: {  	s0 =	sld [smem:$0x3F9E];
	_ =	swait.ge [sflag:s4], $0x0  }
0x19: {  	s7 =	sld [smem:$0x3F9F]  }
0x1a: {  	s8 =	sadd.s32 $0xFFFFE003, lr  }
0x1b: {  	s9 =	sadd.s32 $0xFFFFFEF7, lr;
	s5 =	simm.s32 $0xFFFFFFFF;
	p2 =	slt.u32 s8, $0xFFFFF086  }
0x1c: {  	p1 =	slt.u32 s9, $0xF7A;
	s5 =	simm.s32 @!p2 $0x0  }
0x1d: {  	s5 =	simm.s32 @p1 $0x1;
	p0 =	seq.s32 s7, s2  }
0x1e: {  	s7 =	smul.u32 @!p0 $0xF7A, s2;
	p2 =	seq.s32 @!p0 s5, $0x0  }
0x1f: {  	s9 =	smul.u32 $0xF7A, s1;
	s8 =	simm.s32 @!p0 $0x1BF5;
	p2 =	por !p2, p0  }
0x20: {  	[sflag:s8] =	ssyncset.s32 @!p0 $0xFFFFF086;
	s6 =	sadd.s32 @!p0 s3, s7;
	s7 =	simm.s32 @!p0 $0x108  }
0x21: {  	s3 =	sadd.s32 s3, s9;
	s6 =	sadd.s32 @!p0 $0x88, s6;
	s7 =	simm.s32 @p2 $0x1082  }
0x22: {  	[simem:s7], [sflag:s8] =	dma.local @!p0 [hbm:s6], $0xF7A  }
0x23: {  	s9 =	sor.u32 $0xD0000000, s2;
	s6 =	simm.s32 $0x108;
	_ =	swait.ge @!p0 [sflag:s8], $0x0  }
0x24: {  	s3 =	sadd.s32 $0x88, s3;
	s6 =	simm.s32 @!p1 $0x1082;
	[sflag:s4] =	ssyncset.s32 $0xFFFFF086  }
0x25: {  	[simem:s6], [sflag:s4] =	dma.local [hbm:s3], $0xF7A  }
0x26: {  	[smem:$0x3F9F] =	sst s1;
	(tag) =	ssettag s2;
	_ =	strace s9  }
0x27: {  	s1 =	sld [smem:$0x3FAF]  }
0x28: {  	s2 =	sld [smem:$0x3FB0]  }
0x29: {  	s4 =	sld [smem:$0x3FB2]  }
0x2a: {  	p0 =	seq.s32 s5, $0x0;
	s5 =	sld [smem:$0x3FB3]  }
0x2b: {  	s6 =	sld [smem:$0x3FB4]  }
0x2c: {  	s7 =	sld [smem:$0x3FB5]  }
0x2d: {  	s3 =	simm.s32 $0x108;
	s8 =	sld [smem:$0x3FB6]  }
0x2e: {  	s3 =	simm.s32 @!p0 $0x1082;
	s9 =	sld [smem:$0x3FB7]  }
0x2f: {  	lr =	sadd.s32 s0, s3;
	s0 =	sld [smem:$0x3FAE]  }
0x30: {  	s3 =	sld [smem:$0x3FB1]  }
0x31: {  	[smem:$0x3FBA] =	sst s10  }
0x32: {  	s10 =	sld [smem:$0x3FB8];
	_ =	sdelay $0x3  }
0x33: {  	p0 =	seq.s32 s10, $0x1;
	s10 =	sld [smem:$0x3FBA];
	_ =	sdelay $0x3  }
0x34: {  	[smem:$0x3FBA] =	sst s10  }
0x35: {  	s10 =	sld [smem:$0x3FB9];
	_ =	sdelay $0x3  }
0x36: {  	p1 =	seq.s32 s10, $0x1;
	s10 =	sld [smem:$0x3FBA];
	_ =	sdelay $0x3  }
0x37: {  	[smem:$0x3FBA] =	sst s10  }
0x38: {  	s10 =	sld [smem:$0x3FBB]  }
0x39: {  	_ = 	snop;
	(pc) =	sbr.ind lr, $3  }
0x3a: {  	_ = 	snop  }
0x3b: {  	_ = 	snop  }
0x3c: {  	p2 =	seq.s32 s10, $0x1;
	s10 =	sld [smem:$0x3FBA]  }
0x3d: {  	_ =	shalt  }
0x3e: {  	_ =	shalt  }
0x3f: {  	_ =	shalt  }
0x40: {  	_ =	shalt  }
0x41: {  	_ =	shalt  }
0x42: {  	_ =	shalt  }
0x43: {  	_ =	shalt  }
0x44: {  	_ =	shalt  }
0x45: {  	_ =	shalt  }
0x46: {  	_ =	shalt  }
0x47: {  	_ =	shalt  }
0x48: {  	_ =	shalt  }
0x49: {  	_ =	shalt  }
0x4a: {  	_ =	shalt  }
0x4b: {  	_ =	shalt  }
0x4c: {  	_ =	shalt  }
0x4d: {  	_ =	shalt  }
0x4e: {  	_ =	shalt  }
0x4f: {  	_ =	shalt  }
0x50: {  	_ =	shalt  }
0x51: {  	_ =	shalt  }
0x52: {  	_ =	shalt  }
0x53: {  	_ =	shalt  }
0x54: {  	_ =	shalt  }
0x55: {  	_ =	shalt  }
0x56: {  	_ =	shalt  }
0x57: {  	_ =	shalt  }
0x58: {  	_ =	shalt  }
0x59: {  	_ =	shalt  }
0x5a: {  	_ =	shalt  }
0x5b: {  	_ =	shalt  }
0x5c: {  	_ =	shalt  }
0x5d: {  	_ =	shalt  }
0x5e: {  	_ =	shalt  }
0x5f: {  	_ =	shalt  }
0x60: {  	_ =	shalt  }
0x61: {  	_ =	shalt  }
0x62: {  	_ =	shalt  }
0x63: {  	_ =	shalt  }
0x64: {  	_ =	shalt  }
0x65: {  	_ =	shalt  }
0x66: {  	_ =	shalt  }
0x67: {  	_ =	shalt  }
0x68: {  	_ =	shalt  }
0x69: {  	_ =	shalt  }
0x6a: {  	_ =	shalt  }
0x6b: {  	_ =	shalt  }
0x6c: {  	_ =	shalt  }
0x6d: {  	_ =	shalt  }
0x6e: {  	_ =	shalt  }
0x6f: {  	_ =	shalt  }
0x70: {  	_ =	shalt  }
0x71: {  	_ =	shalt  }
0x72: {  	_ =	shalt  }
0x73: {  	_ =	shalt  }
0x74: {  	_ =	shalt  }
0x75: {  	_ =	shalt  }
0x76: {  	_ =	shalt  }
0x77: {  	_ =	shalt  }
0x78: {  	_ =	shalt  }
0x79: {  	_ =	shalt  }
0x7a: {  	_ =	shalt  }
0x7b: {  	_ =	shalt  }
0x7c: {  	_ =	shalt  }
0x7d: {  	_ =	shalt  }
0x7e: {  	_ =	shalt  }
0x7f: {  	_ =	shalt  }
0x80: {  	_ =	shalt  }
0x81: {  	_ =	shalt  }
0x82: {  	_ =	shalt  }
0x83: {  	_ =	shalt  }
0x84: {  	_ =	shalt  }
0x85: {  	_ =	shalt  }
0x86: {  	_ =	shalt  }
0x87: {  	_ =	shalt  }
.Lfunc_end0:
.L_simem_size_0:
called_computation_lowered:
.L_overlay_start_0:
0x88: {  	s2 =	sld [smem:$0x3FD9]  }
0x89: {  	s3 =	sld [smem:$0x3FFE];
	_ =	sdelay $0x1  }
0x8a: {  	s1 =	srdreg.scid  }
0x8b: {  	s0 =	sand.u32 $0x1, s1  }
0x8c: {  	s16 =	sshll.u32 s0, $0xA;
	s2 =	sadd.s32 s3, s2  }
0x8d: {  	s2 =	sadd.s32 s2, s16  }
0x8e: {  	[smem:$0x3FC6] =	sst s2  }
0x8f: {  	_ = 	snop  }
0x90: {  	(tm) =	ssettm $0x1  }
0x91: {  	s17 =	sld [smem:$0x3FFB];
	_ =	sdelay $0x3  }
0x92: {  	_ =	strace s17  }
0x93: {  	s2 =	sld [smem:$0x3FFC];
	_ =	sdelay $0x3  }
0x94: {  	_ =	strace s2  }
0x95: {  	s2 =	sld [smem:$0x3FFD];
	_ =	sdelay $0x3  }
0x96: {  	_ =	strace s2  }
0x97: {  	_ =	strace $0x8FFFFFFF  }
0x98: {  	s18 =	sld [smem:$0x3FDB];
	_ =	sdelay $0x1  }
0x99: {  	s19 =	simm.s32 $_scs_section_size  }
0x9a: {  	s4 =	simm.s32 $_size__tile_overlayer_lowered;
	s5 =	simm.s32 $_tile_overlayer_lowered  }
0x9b: {  	s22 =	simm.s32 $0x1BFF;
	s21 =	sshll.u32 s5, $0x1;
	s2 =	sadd.s32 s19, s18  }
0x9c: {  	s6 =	simm.s32 $0x0;
	s20 =	sshll.u32 s4, $0x1;
	s4 =	sadd.s32 s21, s2  }
0x9d: {  	[timem:s6], [sflag:s22] =	dma.local [hbm:s4], s20  }
0x9e: {  	_ =	swait.ge [sflag:s22], s20  }
0x9f: {  	s3 =	ssub.s32 $0x0, s20;
	[sflag:s22] =	ssyncset.done $0x0  }
0xa0: {  	[sflag:s22] =	ssyncadd.s32 s3;
	_ =	sdelay $0x1  }
0xa1: {  	s23 =	simm.s32 $0x1B8B  }
0xa2: {  	_ =	swait.ge [sflag:s23], $0x1  }
0xa3: {  	[sflag:s23] =	ssyncset.done $0x0  }
0xa4: {  	s25 =	simm.s32 $0x1B8E;
	s24 =	sld [smem:$0x3FFE];
	[sflag:s23] =	ssyncadd.s32 $0xFFFFFFFF  }
0xa5: {  	s26 =	simm.s32 $execute0_lowered;
	[smem:$0x3FD2] =	sst s25  }
0xa6: {  	s4 =	sshll.u32 s26, $0x1;
	_ =	strace $0x80000046;
	[dreg:$0x1] =	wrdreg $0xFFFFFFFF  }
0xa7: {  	s28 =	simm.s32 $_size_execute0_lowered;
	s2 =	sadd.s32 s2, s4;
	[dreg:$0x0] =	wrdreg $0x0  }
0xa8: {  	s4 =	sshll.u32 s28, $0x1;
	[dreg:$0x2] =	wrdreg s2  }
0xa9: {  	[dreg:$0x3] =	wrdreg s4  }
0xaa: {  	[dreg:$0x4] =	wrdreg $0xC0  }
0xab: {  	_ =	task [dreg:s6], $0x5FFFF  }
0xac: {  	[dreg:$0x1] =	wrdreg $0xFFFFFFFF  }
0xad: {  	[dreg:$0x0] =	wrdreg $0x60  }
0xae: {  	[dreg:$0x2] =	wrdreg s24  }
0xaf: {  	[dreg:$0x3] =	wrdreg $0x9  }
0xb0: {  	_ =	task.clear_ibuf [dreg:s6], $0x4FFFF;
	_ =	strace $0x90000046  }
0xb1: {  	s29 =	simm.s32 $0x9;
	_ =	strace $0x80000048  }
0xb2: {  	_ =	swait.ge [sflag:s29], $0x1  }
0xb3: {  	[sflag:s29] =	ssyncadd.s32 $0xFFFFFFFF  }
0xb4: {  	_ =	strace $0x90000048  }
0xb5: {  	_ =	sfence  }
0xb6: {  	s30 =	sld [smem:$0x0];
	_ =	sdelay $0x2  }
0xb7: {  	s31 =	sshll.u32 s1, $0xD;
	s1 =	sshrl.u32 s1, $0x2  }
0xb8: {  	s3 =	sand.u32 $0x4000, s31;
	s1 =	sadd.s32 s1, s30  }
0xb9: {  	s0 =	sor.u32 s3, s0;
	s1 =	sshll.u32 s1, $0x11  }
0xba: {  	s0 =	sor.u32 s1, s0  }
0xbb: {  	s0 =	sadd.s32 $0x8F2B, s0  }
0xbc: {  	[sflag:s0] =	ssyncadd.remote.s32 $0x1  }
0xbd: {  	_ =	sfence.sel $0xFFFF  }
0xbe: {  	[dreg:$0x0] =	wrdreg $0xFFFFFFFF;
	(pc) =	sbr.abs _section_cstart, $3  }
0xbf: {  	[dreg:$0x1] =	wrdreg $0xFFFFFFFF  }
0xc0: {  	_ =	task.clear_ibuf [dreg:s6], $0x2FFFF;
	_ =	strace $0x9FFFFFFF  }
0xc1: {  	(tm) =	ssettm $0x7FFFFFFF  }
tec
execute0_lowered:
.L_overlay_start_1:
0x0: {  	(tag) =	ssettag $0x1  }
0x1: {  	s1 =	srdreg.scid  }
0x2: {  	s0 =	stileid.u32;
	s7 =	sand.u32 $0x1, s1  }
0x3: {  	s24 =	sshll.u32 s0, $0x8;
	s2 =	sshll.u32 s7, $0x7  }
0x4: {  	s5 =	rddreg [dreg:$0x0];
	s8 =	sor.u32 s2, s24  }
0x5: {  	s1 =	rddreg [dreg:$0x1];
	s2 =	simm.s32 $0x0;
	s3 =	sshrl.u32 s8, $0x3  }
0x6: {  	[smem:$0x7FF] =	sst s2;
	s6 =	sadd.s32 s3, s5  }
0x7: {  	_ =	strace $0x80000047;
	s3 =	simm.s32 $0x2;
	s4 =	sadd.s32 $0xFA0800, s6  }
0x8: {  	v0 =	vmov s8;
	[tilespmem:s2], [sflag:$0x2] =	stream.linear.gather [hbm4b:s4+s2], $0x80, $0x38;
	[tilespmem:$0x180] =	vst v63  }
0x9: {  	s9 =	sor.u32 $0x10, s8;
	s26 =	sor.u32 $0x30, s8;
	v5 =	vmul.u32 $0x7D00, v0;
	_ =	swait.ge [sflag:s3], $0x80  }
0xa: {  	s25 =	sor.u32 $0x70, s8;
	s29 =	sor.u32 $0x40, s8;
	v0 =	vlaneseq.u32;
	v1 =	vmov s9;
	v2 =	vmov s26;
	[sflag:s3] =	ssyncset.done $0x0  }
0xb: {  	s10 =	sor.u32 $0x20, s8;
	v9 =	vmov s29;
	v7 =	vmul.u32 $0x7D00, v0;
	v0 =	vmov s25;
	[sflag:s3] =	ssyncadd.s32 $0xFFFFFF80  }
0xc: {  	s28 =	sor.u32 $0x50, s8;
	v4 =	vmul.u32 $0x7D00, v1;
	v1 =	vmov s10;
	v0 =	vmul.u32 $0x7D00, v0;
	v3 =	vld [tilespmem:$0x70]  }
0xd: {  	s8 =	sor.u32 $0x60, s8;
	v6 =	vmul.u32 $0x7D00, v1;
	v1 =	vmul.u32 $0x7D00, v2;
	v2 =	vmov s28;
	v8 =	vld [tilespmem:$0x30]  }
0xe: {  	v11 =	vmov s8;
	v2 =	vmul.u32 $0x7D00, v2;
	v0 =	vbroadcast v0, $0x0;
	v10 =	vld [tilespmem:$0x50]  }
0xf: {  	v9 =	vmul.u32 $0x7D00, v9;
	v11 =	vmul.u32 $0x7D00, v11;
	v1 =	vbroadcast v1, $0x0;
	v13 =	vld [tilespmem:$0x60]  }
0x10: {  	s7 =	ssub.s32 $0x2, s7;
	v60 =	vbroadcast v5, $0x0;
	v2 =	vbroadcast v2, $0x0;
	v0 =	vadd.s32 v7, v0;
	v14 =	vld [tilespmem:$0x20]  }
0x11: {  	s30 =	sshrl.u32 s7, $0x1;
	v11 =	vbroadcast v11, $0x0;
	v1 =	vadd.s32 v7, v1;
	v15 =	vld [tilespmem:$0x10];
	v3 =	vadd.s32 v3, v0  }
0x12: {  	s7 =	ssub.s32 s7, s30;
	v6 =	vbroadcast v6, $0x0;
	v12 =	vld [tilespmem:$0x40];
	v2 =	vadd.s32 v7, v2;
	v8 =	vadd.s32 v8, v1;
	[tilespmem:$0xF0] =	vst v3  }
0x13: {  	s31 =	smax.u32 s7, $0x1;
	v58 =	vbroadcast v4, $0x0;
	v4 =	vadd.s32 v7, v11;
	v57 =	vadd.s32 v10, v2;
	[tilespmem:$0xB0] =	vst v8;
	v8 =	vld [tilespmem:$0x0]  }
0x14: {  	p0 =	sne.s32 s31, $0x1;
	v9 =	vbroadcast v9, $0x0;
	v5 =	vadd.s32 v7, v6;
	v61 =	vadd.s32 v13, v4;
	[tilespmem:$0xD0] =	vst v57  }
.Ltmp0:
0x15: {  	v6 =	vadd.s32 v7, v58;
	v62 =	vadd.s32 v14, v5;
	[tilespmem:$0xE0] =	vst v61;
	(pc) =	sbr.rel @!p0 .LBB2_2-.Ltmp0, $4  }
0x16: {  	v63 =	vadd.s32 v15, v6;
	v3 =	vadd.s32 v7, v9;
	[tilespmem:$0xA0] =	vst v62  }
0x17: {  	v7 =	vadd.s32 v7, v60;
	[tilespmem:$0x90] =	vst v63;
	v59 =	vadd.s32 v12, v3  }
0x18: {  	s5 =	sadd.s32 $0x800, s5;
	s7 =	simm.s32 $0x80;
	s8 =	simm.s32 $0x100;
	[tilespmem:$0xC0] =	vst v59;
	v8 =	vadd.s32 v8, v7  }
0x19: {  	s9 =	simm.s32 $0x1;
	s6 =	sadd.s32 $0xFA0A00, s6;
	s10 =	sadd.s32 $0xFFFFFFFF, s31;
	[tilespmem:$0x80] =	vst v8  }
.LBB2_1:
0x1a: {  	[tilespmem:s8], [sflag:$0x1] =	stream.indirect.gather [hbm4b:s5+s7], $0x1, s7, s7, $0xb8;
	[tilespmem:$0x180] =	vst v63  }
0x1b: {  	p0 =	sne.s32 s10, $0x1;
	s10 =	sadd.s32 $0xFFFFFFFF, s10;
	_ =	swait.ge [sflag:s9], $0x80  }
0x1c: {  	[sflag:s9] =	ssyncset.done $0x0  }
0x1d: {  	[sflag:s9] =	ssyncadd.s32 $0xFFFFFF80  }
0x1e: {  	[hbm4b:s6+s2] =	stream.linear.scatter [tilespmem:s8], [sflag:$0x2], $0x80, $0x38;
	[tilespmem:$0x180] =	vst v63  }
0x1f: {  	_ =	swait.ge [sflag:s3], $0x80  }
0x20: {  	[sflag:s3] =	ssyncset.done $0x0  }
0x21: {  	[sflag:s3] =	ssyncadd.s32 $0xFFFFFF80  }
0x22: {  	[tilespmem:s2], [sflag:$0x2] =	stream.linear.gather [hbm4b:s4+s2], $0x80, $0x38;
	[tilespmem:$0x180] =	vst v63  }
0x23: {  	_ =	swait.ge [sflag:s3], $0x80  }
0x24: {  	[sflag:s3] =	ssyncset.done $0x0  }
0x25: {  	[sflag:s3] =	ssyncadd.s32 $0xFFFFFF80  }
0x26: {  	v8 =	vld [tilespmem:$0x70]  }
0x27: {  	v9 =	vld [tilespmem:$0x30]  }
0x28: {  	v10 =	vld [tilespmem:$0x50]  }
0x29: {  	v11 =	vld [tilespmem:$0x40]  }
0x2a: {  	v12 =	vld [tilespmem:$0x60]  }
0x2b: {  	v13 =	vld [tilespmem:$0x20];
	v8 =	vadd.s32 v8, v0  }
0x2c: {  	v14 =	vld [tilespmem:$0x10];
	v9 =	vadd.s32 v9, v1;
	[tilespmem:$0xF0] =	vst v8  }
0x2d: {  	v8 =	vld [tilespmem:$0x0];
	[tilespmem:$0xB0] =	vst v9;
	v9 =	vadd.s32 v10, v2  }
0x2e: {  	v10 =	vadd.s32 v11, v3;
	[tilespmem:$0xD0] =	vst v9  }
.Ltmp1:
0x2f: {  	[tilespmem:$0xC0] =	vst v10;
	v9 =	vadd.s32 v12, v4;
	(pc) =	sbr.rel @p0 .LBB2_1-.Ltmp1, $4  }
0x30: {  	v10 =	vadd.s32 v13, v5;
	[tilespmem:$0xE0] =	vst v9  }
0x31: {  	v9 =	vadd.s32 v14, v6;
	[tilespmem:$0xA0] =	vst v10  }
0x32: {  	v8 =	vadd.s32 v8, v7;
	[tilespmem:$0x90] =	vst v9  }
0x33: {  	[tilespmem:$0x80] =	vst v8  }
.LBB2_2:
0x34: {  	[tilespmem:s8], [sflag:$0x1] =	stream.indirect.gather [hbm4b:s5+s7], $0x1, s7, s7, $0xb8;
	[tilespmem:$0x180] =	vst v63  }
0x35: {  	_ =	swait.ge [sflag:s9], $0x80  }
0x36: {  	[sflag:s9] =	ssyncset.done $0x0  }
0x37: {  	[sflag:s9] =	ssyncadd.s32 $0xFFFFFF80  }
0x38: {  	[hbm4b:s6+s2] =	stream.linear.scatter [tilespmem:s8], [sflag:$0x2], $0x80, $0x38;
	[tilespmem:$0x180] =	vst v63  }
0x39: {  	_ =	swait.ge [sflag:s3], $0x80  }
0x3a: {  	[sflag:s3] =	ssyncset.done $0x0  }
0x3b: {  	[sflag:s3] =	ssyncadd.s32 $0xFFFFFF80  }
0x3c: {  	_ =	sfence.sel $0x180000  }
0x3d: {  	[bflag:$0x0] =	sbarrier.arrive $0xFFFF  }
0x3e: {  	p0 =	sne.s32 s0, $0x0;
	_ =	strace $0x90000047  }
0x3f: {  	s0 =	sadd.s32 @!p0 $0x100000, s1;
	[bflag:$0x2] =	sbarrier.arrive $0xFFFF  }
0x40: {  	[sflag:s0] =	ssyncadd.tile.s32 @!p0 $0x1;
	_ =	shalt  }
.Lfunc_end2:
_tile_overlayer_lowered:
.L_overlay_start_2:
0x41: {  	(tag) =	ssettag $0x2  }
0x42: {  	s0 =	rddreg [dreg:$0x0];
	s2 =	stileid.u32  }
0x43: {  	s1 =	rddreg [dreg:$0x1];
	p0 =	sne.s32 s2, $0x0  }
0x44: {  	s3 =	rddreg [dreg:$0x2];
	[bflag:$0x3] =	sbarrier.arrive $0xFFFF;
	s2 =	simm.s32 @!p0 $0x1C02  }
0x45: {  	[timem:s3], [sflag:s2] =	dma.local @!p0 [hbm:s0], s1  }
0x46: {  	s0 =	simm.s32 @!p0 $0x2  }
0x47: {  	_ =	swait.ge @!p0 [sflag:s0], s1  }
0x48: {  	s1 =	ssub.s32 @!p0 $0x0, s1;
	[sflag:s0] =	ssyncset.done @!p0 $0x0  }
0x49: {  	[sflag:s0] =	ssyncadd.s32 @!p0 s1  }
0x4a: {  	[bflag:$0x3] =	sbarrier.arrive $0xFFFF  }
0x4b: {  	_ =	shalt  }

</sc_bundles>
